<compile_context>
chip_gen: v7x
topology: tpu7x:2x2x1
jax: 0.10.2.dev20260603
libtpu: 0.0.44.dev20260713+nightly
codegen_flags: <defaults>
</compile_context>

<pallas_src>
import jax
import jax.numpy as jnp
from jax.experimental import pallas as pl
from jax.experimental.pallas import tpu as pltpu
from jax.experimental.pallas import tpu_sc as plsc

BATCH = 16384
HIDDEN = 64
CHUNK = 4096
NCHUNK = BATCH // CHUNK
NWORKERS = 32
BPW = BATCH // NWORKERS

N_ROWS = 100000
FMT_BC = 1024


def _sc_gather_one(table, xt, row):
    mesh = plsc.VectorSubcoreMesh(core_axis_name="core", subcore_axis_name="subcore")

    @pl.kernel(out_type=jax.ShapeDtypeStruct((BATCH, HIDDEN), jnp.float32),
               mesh=mesh,
               compiler_params=pltpu.CompilerParams(use_tc_tiling_on_sc=False),
               scratch_types=[
                   pltpu.VMEM((BPW,), jnp.int32),
                   pltpu.VMEM((BPW, HIDDEN), jnp.float32),
                   pltpu.SemaphoreType.DMA,
               ])
    def gather_kernel(t_hbm, i_hbm, o_hbm, i_v, rows_v, sem):
        wid = jax.lax.axis_index("subcore") * 2 + jax.lax.axis_index("core")
        base = wid * BPW
        pltpu.sync_copy(i_hbm.at[row, pl.ds(base, BPW)], i_v)
        pltpu.async_copy(t_hbm.at[i_v], rows_v, sem).wait()
        pltpu.sync_copy(rows_v, o_hbm.at[pl.ds(base, BPW)])

    return gather_kernel(table, xt)


def _dot(a, b):
    return jax.lax.dot_general(
        a, b, (((1,), (0,)), ((), ())), preferred_element_type=jnp.float32)


def _mlp_body(p_ref, n_ref, w1p_ref, w1n_ref, b1_ref, gamma_ref,
              beta_ref, w2_ref, b2_ref, w3_ref, b3_ref, out_ref,
              h1_ref, stat_ref):
    phase = pl.program_id(0)
    chunk = pl.program_id(1)

    @pl.when(phase == 0)
    def _pass1():
        @pl.when(chunk == 0)
        def _init():
            stat_ref[...] = jnp.zeros_like(stat_ref)

        p = p_ref[...]
        n = n_ref[...]
        p_norm = jnp.sqrt(jnp.sum(p * p, axis=-1, keepdims=True))
        n_norm = jnp.sqrt(jnp.sum(n * n, axis=-1, keepdims=True))
        p = p / jnp.maximum(p_norm, 1e-12)
        n = n / jnp.maximum(n_norm, 1e-12)
        h = _dot(p, w1p_ref[...]) + _dot(n, w1n_ref[...]) + b1_ref[...]
        h = jnp.maximum(h, 0.0)
        h1_ref[pl.ds(chunk * CHUNK, CHUNK), :] = h
        stat_ref[0:1, :] += jnp.sum(h, axis=0, keepdims=True)
        stat_ref[1:2, :] += jnp.sum(h * h, axis=0, keepdims=True)

    @pl.when(phase == 1)
    def _pass2():
        inv_n = 1.0 / BATCH
        mean = stat_ref[0:1, :] * inv_n
        var = stat_ref[1:2, :] * inv_n - mean * mean
        h = h1_ref[pl.ds(chunk * CHUNK, CHUNK), :]
        h = (h - mean) / jnp.sqrt(var + 1e-5) * gamma_ref[...] + beta_ref[...]
        h = jnp.maximum(_dot(h, w2_ref[...]) + b2_ref[...], 0.0)
        out_ref[...] = _dot(h, w3_ref[...]) + b3_ref[...]


def _mlp(p_rows, n_rows, W1, b1, gamma, beta, W2, b2, W3, b3, *,
         interpret=False):
    n_obs = W3.shape[0]

    def chunk_map(ph, c):
        return (jnp.where(ph == 0, c, 0), 0)

    def bcast_map(ph, c):
        return (0, 0)

    return pl.pallas_call(
        _mlp_body,
        grid=(2, NCHUNK),
        in_specs=[
            pl.BlockSpec((CHUNK, HIDDEN), chunk_map),
            pl.BlockSpec((CHUNK, HIDDEN), chunk_map),
            pl.BlockSpec((HIDDEN, HIDDEN), bcast_map),
            pl.BlockSpec((HIDDEN, HIDDEN), bcast_map),
            pl.BlockSpec((1, HIDDEN), bcast_map),
            pl.BlockSpec((1, HIDDEN), bcast_map),
            pl.BlockSpec((1, HIDDEN), bcast_map),
            pl.BlockSpec((HIDDEN, HIDDEN), bcast_map),
            pl.BlockSpec((1, HIDDEN), bcast_map),
            pl.BlockSpec((HIDDEN, n_obs), bcast_map),
            pl.BlockSpec((1, n_obs), bcast_map),
        ],
        out_specs=pl.BlockSpec((CHUNK, n_obs),
                               lambda ph, c: (jnp.where(ph == 1, c, 0), 0)),
        out_shape=jax.ShapeDtypeStruct((BATCH, n_obs), jnp.float32),
        scratch_shapes=[
            pltpu.VMEM((BATCH, HIDDEN), jnp.float32),
            pltpu.VMEM((2, HIDDEN), jnp.float32),
        ],
        interpret=interpret,
    )(
        p_rows,
        n_rows,
        W1[:, :HIDDEN].T,
        W1[:, HIDDEN:].T,
        b1.reshape(1, -1),
        gamma.reshape(1, -1),
        beta.reshape(1, -1),
        W2.T,
        b2.reshape(1, -1),
        W3.T,
        b3.reshape(1, -1),
    )


def kernel(x, pos_proton, pos_neutron, W1, b1, gamma, beta, W2, b2, W3, b3):
    xt = x.T
    p_rows = _sc_gather_one(pos_proton, xt, 0)
    n_rows = _sc_gather_one(pos_neutron, xt, 1)
    return _mlp(p_rows, n_rows, W1, b1, gamma, beta, W2, b2, W3, b3)

# --- scband reference (transcript-rebuilt; emitter-appended) ---
"""Pipeline reference for scband-model22-37726992728521 (READ-ONLY COPY).

The authoritative reference and input builder live on the scoring server;
editing this copy changes nothing except your own understanding.
"""

import jax, jax.numpy as jnp
import numpy as np

N_PROTONS = 100000
N_NEUTRONS = 100000
HIDDEN = 64
N_OBS = 2
BATCH = 16384


def _l2_normalize(v, eps=1e-12):
    # matches torch.nn.functional.normalize(p=2, dim=-1)
    n = jnp.sqrt(jnp.sum(v * v, axis=-1, keepdims=True))
    return v / jnp.maximum(n, eps)


def setup_inputs(seed: int = 0) -> dict:
    key = jax.random.key(seed)
    ks = jax.random.split(key, 8)
    x = jax.random.randint(ks[0], (BATCH, 2), 0, N_PROTONS, dtype=jnp.int32)
    # pos_proton / pos_neutron: positional-encoding buffers overwritten by uniform_(-1, 1)
    pos_proton = jax.random.uniform(ks[1], (N_PROTONS, HIDDEN), minval=-1.0, maxval=1.0, dtype=jnp.float32)
    pos_neutron = jax.random.uniform(ks[2], (N_NEUTRONS, HIDDEN), minval=-1.0, maxval=1.0, dtype=jnp.float32)
    # MLP: Linear(2H -> H), ReLU, BatchNorm1d(H), Linear(H -> H), ReLU, Linear(H -> N_OBS)
    W1 = jax.random.normal(ks[3], (HIDDEN, 2 * HIDDEN), dtype=jnp.float32) * 0.02
    b1 = jnp.zeros((HIDDEN,), dtype=jnp.float32)
    gamma = jnp.ones((HIDDEN,), dtype=jnp.float32)
    beta = jnp.zeros((HIDDEN,), dtype=jnp.float32)
    W2 = jax.random.normal(ks[4], (HIDDEN, HIDDEN), dtype=jnp.float32) * 0.02
    b2 = jnp.zeros((HIDDEN,), dtype=jnp.float32)
    W3 = jax.random.normal(ks[5], (N_OBS, HIDDEN), dtype=jnp.float32) * 0.02
    b3 = jnp.zeros((N_OBS,), dtype=jnp.float32)
    return {"x": x, "pos_proton": pos_proton, "pos_neutron": pos_neutron,
            "W1": W1, "b1": b1, "gamma": gamma, "beta": beta,
            "W2": W2, "b2": b2, "W3": W3, "b3": b3}


def reference(x, pos_proton, pos_neutron, W1, b1, gamma, beta, W2, b2, W3, b3):
    # gather + L2-normalize per row (embedding-style lookup)
    p_enc = _l2_normalize(jnp.take(pos_proton, x[:, 0], axis=0))
    n_enc = _l2_normalize(jnp.take(pos_neutron, x[:, 1], axis=0))
    h = jnp.concatenate([p_enc, n_enc], axis=-1)  # hstack; Flatten is a no-op for 2D
    h = h @ W1.T + b1
    h = jax.nn.relu(h)
    # BatchNorm1d in (default) train mode: biased batch statistics
    mean = jnp.mean(h, axis=0)
    var = jnp.mean((h - mean) ** 2, axis=0)
    h = (h - mean) / jnp.sqrt(var + 1e-5) * gamma + beta
    h = jax.nn.relu(h @ W2.T + b2)
    out = h @ W3.T + b3
    return out

if __name__ == "__main__":
    import jax
    _d = setup_inputs()
    print(jax.jit(kernel)(*tuple(_d.values())))

</pallas_src>

<mosaic_0001>
#map = affine_map<(d0, d1) -> (0, 0)>
module attributes {stable_mosaic.version = 14 : i64} {
  func.func @gather_kernel(%arg0: i32, %arg1: i32, %arg2: memref<100000x64xf32, #tpu.memory_space<hbm>>, %arg3: memref<2x16384xi32, #tpu.memory_space<hbm>>, %arg4: memref<16384x64xf32, #tpu.memory_space<hbm>>, %arg5: memref<512xi32, #tpu.memory_space<vmem>>, %arg6: memref<512x64xf32, #tpu.memory_space<vmem>>, %arg7: memref<!tpu.dma_semaphore, #tpu.memory_space<semaphore_mem>>) attributes {dimension_semantics = [#tpu.dimension_semantics<core_parallel>, #tpu.dimension_semantics<subcore_parallel>], iteration_bounds = array<i64: 2, 16>, scalar_prefetch = 0 : i64, scratch_operands = 3 : i64, tpu.core_type = #tpu.core_type<sc_vector_subcore>, window_params = [{transform_indices = #map}, {transform_indices = #map}, {transform_indices = #map}]} {
    %mul3A = arith.constant 2 : i32
    %mul3A_0 = arith.muli %arg1, %mul3A : i32
    %add3A = arith.addi %mul3A_0, %arg0 : i32
    %mul3A_1 = arith.constant 512 : i32
    %mul3A_2 = arith.muli %add3A, %mul3A_1 : i32
    %run_scoped3A = arith.constant 0 : i32
    "tpu.region"() ({
      %run_scoped3A_7 = tpu.sem_alloc : memref<!tpu.dma_semaphore, #tpu.memory_space<semaphore_mem>>
      %dma_start3A_8 = tpu.memref_slice %arg3[%run_scoped3A, %mul3A_2] : memref<2x16384xi32, #tpu.memory_space<hbm>> -> memref<1x512xi32, #tpu.memory_space<hbm>>
      %dma_start3A_9 = tpu.memref_squeeze %dma_start3A_8 : memref<1x512xi32, #tpu.memory_space<hbm>> -> memref<512xi32, #tpu.memory_space<hbm>>
      %dma_start3A_10 = tpu.memref_slice %arg3[%run_scoped3A, %mul3A_2] : memref<2x16384xi32, #tpu.memory_space<hbm>> -> memref<1x512xi32, #tpu.memory_space<hbm>>
      %dma_start3A_11 = tpu.memref_squeeze %dma_start3A_10 : memref<1x512xi32, #tpu.memory_space<hbm>> -> memref<512xi32, #tpu.memory_space<hbm>>
      tpu.enqueue_dma source(%dma_start3A_11 : memref<512xi32, #tpu.memory_space<hbm>>) target(%arg5 : memref<512xi32, #tpu.memory_space<vmem>>) target_semaphore(%run_scoped3A_7 : memref<!tpu.dma_semaphore, #tpu.memory_space<semaphore_mem>>)
      %dma_wait3A_12 = tpu.memref_slice %arg3[%run_scoped3A, %mul3A_2] : memref<2x16384xi32, #tpu.memory_space<hbm>> -> memref<1x512xi32, #tpu.memory_space<hbm>>
      %dma_wait3A_13 = tpu.memref_squeeze %dma_wait3A_12 : memref<1x512xi32, #tpu.memory_space<hbm>> -> memref<512xi32, #tpu.memory_space<hbm>>
      %dma_wait3A_14 = tpu.memref_slice %arg3[%run_scoped3A, %mul3A_2] : memref<2x16384xi32, #tpu.memory_space<hbm>> -> memref<1x512xi32, #tpu.memory_space<hbm>>
      %dma_wait3A_15 = tpu.memref_squeeze %dma_wait3A_14 : memref<1x512xi32, #tpu.memory_space<hbm>> -> memref<512xi32, #tpu.memory_space<hbm>>
      tpu.wait_dma2 semaphore(%run_scoped3A_7 : memref<!tpu.dma_semaphore, #tpu.memory_space<semaphore_mem>>) src(%dma_wait3A_15 : memref<512xi32, #tpu.memory_space<hbm>>) dst(%arg5 : memref<512xi32, #tpu.memory_space<vmem>>)
      tpu.yield
    }) : () -> ()
    %dma_start3A = arith.constant 0 : i32
    %dma_start3A_3 = arith.constant 0 : i32
    %dma_start3A_4 = tpu.memref_slice %arg2[%dma_start3A, %dma_start3A_3] : memref<100000x64xf32, #tpu.memory_space<hbm>> -> memref<100000x64xf32, #tpu.memory_space<hbm>>
    tpu.enqueue_indirect_dma source(%dma_start3A_4 : memref<100000x64xf32, #tpu.memory_space<hbm>>) target(%arg6 : memref<512x64xf32, #tpu.memory_space<vmem>>) offsets(%arg5 : memref<512xi32, #tpu.memory_space<vmem>>) semaphore(%arg7 : memref<!tpu.dma_semaphore, #tpu.memory_space<semaphore_mem>>)
    %dma_wait3A = arith.constant 0 : i32
    %dma_wait3A_5 = arith.constant 0 : i32
    %dma_wait3A_6 = tpu.memref_slice %arg2[%dma_wait3A, %dma_wait3A_5] : memref<100000x64xf32, #tpu.memory_space<hbm>> -> memref<100000x64xf32, #tpu.memory_space<hbm>>
    tpu.wait_indirect_dma semaphore(%arg7 : memref<!tpu.dma_semaphore, #tpu.memory_space<semaphore_mem>>) src(%dma_wait3A_6 : memref<100000x64xf32, #tpu.memory_space<hbm>>) dst(%arg6 : memref<512x64xf32, #tpu.memory_space<vmem>>)
    "tpu.region"() ({
      %run_scoped3A_7 = tpu.sem_alloc : memref<!tpu.dma_semaphore, #tpu.memory_space<semaphore_mem>>
      %dma_start3A_8 = arith.constant 0 : i32
      %dma_start3A_9 = tpu.memref_slice %arg4[%mul3A_2, %dma_start3A_8] : memref<16384x64xf32, #tpu.memory_space<hbm>> -> memref<512x64xf32, #tpu.memory_space<hbm>>
      %dma_start3A_10 = arith.constant 0 : i32
      %dma_start3A_11 = tpu.memref_slice %arg4[%mul3A_2, %dma_start3A_10] : memref<16384x64xf32, #tpu.memory_space<hbm>> -> memref<512x64xf32, #tpu.memory_space<hbm>>
      tpu.enqueue_dma source(%arg6 : memref<512x64xf32, #tpu.memory_space<vmem>>) target(%dma_start3A_11 : memref<512x64xf32, #tpu.memory_space<hbm>>) target_semaphore(%run_scoped3A_7 : memref<!tpu.dma_semaphore, #tpu.memory_space<semaphore_mem>>)
      %dma_wait3A_12 = arith.constant 0 : i32
      %dma_wait3A_13 = tpu.memref_slice %arg4[%mul3A_2, %dma_wait3A_12] : memref<16384x64xf32, #tpu.memory_space<hbm>> -> memref<512x64xf32, #tpu.memory_space<hbm>>
      %dma_wait3A_14 = arith.constant 0 : i32
      %dma_wait3A_15 = tpu.memref_slice %arg4[%mul3A_2, %dma_wait3A_14] : memref<16384x64xf32, #tpu.memory_space<hbm>> -> memref<512x64xf32, #tpu.memory_space<hbm>>
      tpu.wait_dma2 semaphore(%run_scoped3A_7 : memref<!tpu.dma_semaphore, #tpu.memory_space<semaphore_mem>>) src(%arg6 : memref<512x64xf32, #tpu.memory_space<vmem>>) dst(%dma_wait3A_15 : memref<512x64xf32, #tpu.memory_space<hbm>>)
      tpu.yield
    }) : () -> ()
    return
  }
}

#map = affine_map<(d0, d1) -> (0, 0)>
module attributes {stable_mosaic.version = 14 : i64} {
  func.func @gather_kernel(%arg0: i32, %arg1: i32, %arg2: memref<100000x64xf32, #tpu.memory_space<hbm>>, %arg3: memref<2x16384xi32, #tpu.memory_space<hbm>>, %arg4: memref<16384x64xf32, #tpu.memory_space<hbm>>, %arg5: memref<512xi32, #tpu.memory_space<vmem>>, %arg6: memref<512x64xf32, #tpu.memory_space<vmem>>, %arg7: memref<!tpu.dma_semaphore, #tpu.memory_space<semaphore_mem>>) attributes {dimension_semantics = [#tpu.dimension_semantics<core_parallel>, #tpu.dimension_semantics<subcore_parallel>], iteration_bounds = array<i64: 2, 16>, scalar_prefetch = 0 : i64, scratch_operands = 3 : i64, tpu.core_type = #tpu.core_type<sc_vector_subcore>, window_params = [{transform_indices = #map}, {transform_indices = #map}, {transform_indices = #map}]} {
    %mul3A = arith.constant 2 : i32
    %mul3A_0 = arith.muli %arg1, %mul3A : i32
    %add3A = arith.addi %mul3A_0, %arg0 : i32
    %mul3A_1 = arith.constant 512 : i32
    %mul3A_2 = arith.muli %add3A, %mul3A_1 : i32
    %run_scoped3A = arith.constant 1 : i32
    "tpu.region"() ({
      %run_scoped3A_7 = tpu.sem_alloc : memref<!tpu.dma_semaphore, #tpu.memory_space<semaphore_mem>>
      %dma_start3A_8 = tpu.memref_slice %arg3[%run_scoped3A, %mul3A_2] : memref<2x16384xi32, #tpu.memory_space<hbm>> -> memref<1x512xi32, #tpu.memory_space<hbm>>
      %dma_start3A_9 = tpu.memref_squeeze %dma_start3A_8 : memref<1x512xi32, #tpu.memory_space<hbm>> -> memref<512xi32, #tpu.memory_space<hbm>>
      %dma_start3A_10 = tpu.memref_slice %arg3[%run_scoped3A, %mul3A_2] : memref<2x16384xi32, #tpu.memory_space<hbm>> -> memref<1x512xi32, #tpu.memory_space<hbm>>
      %dma_start3A_11 = tpu.memref_squeeze %dma_start3A_10 : memref<1x512xi32, #tpu.memory_space<hbm>> -> memref<512xi32, #tpu.memory_space<hbm>>
      tpu.enqueue_dma source(%dma_start3A_11 : memref<512xi32, #tpu.memory_space<hbm>>) target(%arg5 : memref<512xi32, #tpu.memory_space<vmem>>) target_semaphore(%run_scoped3A_7 : memref<!tpu.dma_semaphore, #tpu.memory_space<semaphore_mem>>)
      %dma_wait3A_12 = tpu.memref_slice %arg3[%run_scoped3A, %mul3A_2] : memref<2x16384xi32, #tpu.memory_space<hbm>> -> memref<1x512xi32, #tpu.memory_space<hbm>>
      %dma_wait3A_13 = tpu.memref_squeeze %dma_wait3A_12 : memref<1x512xi32, #tpu.memory_space<hbm>> -> memref<512xi32, #tpu.memory_space<hbm>>
      %dma_wait3A_14 = tpu.memref_slice %arg3[%run_scoped3A, %mul3A_2] : memref<2x16384xi32, #tpu.memory_space<hbm>> -> memref<1x512xi32, #tpu.memory_space<hbm>>
      %dma_wait3A_15 = tpu.memref_squeeze %dma_wait3A_14 : memref<1x512xi32, #tpu.memory_space<hbm>> -> memref<512xi32, #tpu.memory_space<hbm>>
      tpu.wait_dma2 semaphore(%run_scoped3A_7 : memref<!tpu.dma_semaphore, #tpu.memory_space<semaphore_mem>>) src(%dma_wait3A_15 : memref<512xi32, #tpu.memory_space<hbm>>) dst(%arg5 : memref<512xi32, #tpu.memory_space<vmem>>)
      tpu.yield
    }) : () -> ()
    %dma_start3A = arith.constant 0 : i32
    %dma_start3A_3 = arith.constant 0 : i32
    %dma_start3A_4 = tpu.memref_slice %arg2[%dma_start3A, %dma_start3A_3] : memref<100000x64xf32, #tpu.memory_space<hbm>> -> memref<100000x64xf32, #tpu.memory_space<hbm>>
    tpu.enqueue_indirect_dma source(%dma_start3A_4 : memref<100000x64xf32, #tpu.memory_space<hbm>>) target(%arg6 : memref<512x64xf32, #tpu.memory_space<vmem>>) offsets(%arg5 : memref<512xi32, #tpu.memory_space<vmem>>) semaphore(%arg7 : memref<!tpu.dma_semaphore, #tpu.memory_space<semaphore_mem>>)
    %dma_wait3A = arith.constant 0 : i32
    %dma_wait3A_5 = arith.constant 0 : i32
    %dma_wait3A_6 = tpu.memref_slice %arg2[%dma_wait3A, %dma_wait3A_5] : memref<100000x64xf32, #tpu.memory_space<hbm>> -> memref<100000x64xf32, #tpu.memory_space<hbm>>
    tpu.wait_indirect_dma semaphore(%arg7 : memref<!tpu.dma_semaphore, #tpu.memory_space<semaphore_mem>>) src(%dma_wait3A_6 : memref<100000x64xf32, #tpu.memory_space<hbm>>) dst(%arg6 : memref<512x64xf32, #tpu.memory_space<vmem>>)
    "tpu.region"() ({
      %run_scoped3A_7 = tpu.sem_alloc : memref<!tpu.dma_semaphore, #tpu.memory_space<semaphore_mem>>
      %dma_start3A_8 = arith.constant 0 : i32
      %dma_start3A_9 = tpu.memref_slice %arg4[%mul3A_2, %dma_start3A_8] : memref<16384x64xf32, #tpu.memory_space<hbm>> -> memref<512x64xf32, #tpu.memory_space<hbm>>
      %dma_start3A_10 = arith.constant 0 : i32
      %dma_start3A_11 = tpu.memref_slice %arg4[%mul3A_2, %dma_start3A_10] : memref<16384x64xf32, #tpu.memory_space<hbm>> -> memref<512x64xf32, #tpu.memory_space<hbm>>
      tpu.enqueue_dma source(%arg6 : memref<512x64xf32, #tpu.memory_space<vmem>>) target(%dma_start3A_11 : memref<512x64xf32, #tpu.memory_space<hbm>>) target_semaphore(%run_scoped3A_7 : memref<!tpu.dma_semaphore, #tpu.memory_space<semaphore_mem>>)
      %dma_wait3A_12 = arith.constant 0 : i32
      %dma_wait3A_13 = tpu.memref_slice %arg4[%mul3A_2, %dma_wait3A_12] : memref<16384x64xf32, #tpu.memory_space<hbm>> -> memref<512x64xf32, #tpu.memory_space<hbm>>
      %dma_wait3A_14 = arith.constant 0 : i32
      %dma_wait3A_15 = tpu.memref_slice %arg4[%mul3A_2, %dma_wait3A_14] : memref<16384x64xf32, #tpu.memory_space<hbm>> -> memref<512x64xf32, #tpu.memory_space<hbm>>
      tpu.wait_dma2 semaphore(%run_scoped3A_7 : memref<!tpu.dma_semaphore, #tpu.memory_space<semaphore_mem>>) src(%arg6 : memref<512x64xf32, #tpu.memory_space<vmem>>) dst(%dma_wait3A_15 : memref<512x64xf32, #tpu.memory_space<hbm>>)
      tpu.yield
    }) : () -> ()
    return
  }
}

module attributes {stable_mosaic.version = 14 : i64} {
  func.func @_mlp_body(%arg0: i32, %arg1: i32, %arg2: memref<4096x64xf32, #tpu.memory_space<vmem>>, %arg3: memref<4096x64xf32, #tpu.memory_space<vmem>>, %arg4: memref<64x64xf32, #tpu.memory_space<vmem>>, %arg5: memref<64x64xf32, #tpu.memory_space<vmem>>, %arg6: memref<1x64xf32, #tpu.memory_space<vmem>>, %arg7: memref<1x64xf32, #tpu.memory_space<vmem>>, %arg8: memref<1x64xf32, #tpu.memory_space<vmem>>, %arg9: memref<64x64xf32, #tpu.memory_space<vmem>>, %arg10: memref<1x64xf32, #tpu.memory_space<vmem>>, %arg11: memref<64x2xf32, #tpu.memory_space<vmem>>, %arg12: memref<1x2xf32, #tpu.memory_space<vmem>>, %arg13: memref<4096x2xf32, #tpu.memory_space<vmem>>, %arg14: memref<16384x64xf32, #tpu.memory_space<vmem>>, %arg15: memref<2x64xf32, #tpu.memory_space<vmem>>) attributes {dimension_semantics = [#tpu.dimension_semantics<arbitrary>, #tpu.dimension_semantics<arbitrary>], iteration_bounds = array<i64: 2, 4>, scalar_prefetch = 0 : i64, scratch_operands = 2 : i64, tpu.core_type = #tpu.core_type<tc>, window_params = [{transform_indices = @transform_0, window_bounds = array<i64: 4096, 64>}, {transform_indices = @transform_1, window_bounds = array<i64: 4096, 64>}, {pipeline_mode = #tpu.pipeline_mode<synchronous>, transform_indices = @transform_2, window_bounds = array<i64: 64, 64>}, {pipeline_mode = #tpu.pipeline_mode<synchronous>, transform_indices = @transform_3, window_bounds = array<i64: 64, 64>}, {pipeline_mode = #tpu.pipeline_mode<synchronous>, transform_indices = @transform_4, window_bounds = array<i64: 1, 64>}, {pipeline_mode = #tpu.pipeline_mode<synchronous>, transform_indices = @transform_5, window_bounds = array<i64: 1, 64>}, {pipeline_mode = #tpu.pipeline_mode<synchronous>, transform_indices = @transform_6, window_bounds = array<i64: 1, 64>}, {pipeline_mode = #tpu.pipeline_mode<synchronous>, transform_indices = @transform_7, window_bounds = array<i64: 64, 64>}, {pipeline_mode = #tpu.pipeline_mode<synchronous>, transform_indices = @transform_8, window_bounds = array<i64: 1, 64>}, {pipeline_mode = #tpu.pipeline_mode<synchronous>, transform_indices = @transform_9, window_bounds = array<i64: 64, 2>}, {pipeline_mode = #tpu.pipeline_mode<synchronous>, transform_indices = @transform_10, window_bounds = array<i64: 1, 2>}, {transform_indices = @transform_11, window_bounds = array<i64: 4096, 2>}]} {
    %eq3A = arith.constant 0 : i32
    %eq3A_0 = arith.cmpi eq, %arg0, %eq3A : i32
    %convert_element_type3A = arith.extui %eq3A_0 : i1 to i32
    %cond3A = arith.constant 0 : i32
    %cond3A_1 = arith.cmpi ne, %convert_element_type3A, %cond3A : i32
    scf.if %cond3A_1 {
      %eq3A_7 = arith.constant 0 : i32
      %eq3A_8 = arith.cmpi eq, %arg1, %eq3A_7 : i32
      %convert_element_type3A_9 = arith.extui %eq3A_8 : i1 to i32
      %cond3A_10 = arith.constant 0 : i32
      %cond3A_11 = arith.cmpi ne, %convert_element_type3A_9, %cond3A_10 : i32
      scf.if %cond3A_11 {
        %broadcast_in_dim3A_73 = arith.constant 0.000000e+00 : f32
        %broadcast_in_dim3A_74 = vector.broadcast %broadcast_in_dim3A_73 : f32 to vector<2x64xf32>
        %swap3A_75 = arith.constant 0 : index
        %swap3A_76 = arith.constant 0 : index
        %swap3A_77 = vector.load %arg15[%swap3A_75, %swap3A_76] : memref<2x64xf32, #tpu.memory_space<vmem>>, vector<2x64xf32>
        tpu.vector_store %arg15[%swap3A_75, %swap3A_76], %broadcast_in_dim3A_74 {strides = array<i32>} : memref<2x64xf32, #tpu.memory_space<vmem>>, vector<2x64xf32>,
      } else {
      }
      %get3A = arith.constant 0 : index
      %get3A_12 = arith.constant 0 : index
      %get3A_13 = vector.load %arg2[%get3A, %get3A_12] : memref<4096x64xf32, #tpu.memory_space<vmem>>, vector<4096x64xf32>
      %get3A_14 = arith.constant 0 : index
      %get3A_15 = arith.constant 0 : index
      %get3A_16 = vector.load %arg3[%get3A_14, %get3A_15] : memref<4096x64xf32, #tpu.memory_space<vmem>>, vector<4096x64xf32>
      %mul3A = arith.mulf %get3A_13, %get3A_13 : vector<4096x64xf32>
      %reduce_sum3A = arith.constant dense<0.000000e+00> : vector<4096xf32>
      %reduce_sum3A_17 = vector.multi_reduction <add>, %mul3A, %reduce_sum3A [1] : vector<4096x64xf32> to vector<4096xf32>
      %broadcast_in_dim3A = vector.shape_cast %reduce_sum3A_17 : vector<4096xf32> to vector<4096x1xf32>
      %sqrt3A = math.sqrt %broadcast_in_dim3A : vector<4096x1xf32>
      %mul3A_18 = arith.mulf %get3A_16, %get3A_16 : vector<4096x64xf32>
      %reduce_sum3A_19 = arith.constant dense<0.000000e+00> : vector<4096xf32>
      %reduce_sum3A_20 = vector.multi_reduction <add>, %mul3A_18, %reduce_sum3A_19 [1] : vector<4096x64xf32> to vector<4096xf32>
      %broadcast_in_dim3A_21 = vector.shape_cast %reduce_sum3A_20 : vector<4096xf32> to vector<4096x1xf32>
      %sqrt3A_22 = math.sqrt %broadcast_in_dim3A_21 : vector<4096x1xf32>
      %max3A = arith.constant 9.99999996E-13 : f32
      %max3A_23 = vector.broadcast %max3A : f32 to vector<4096x1xf32>
      %max3A_24 = arith.maximumf %sqrt3A, %max3A_23 : vector<4096x1xf32>
      %div3A = vector.broadcast %max3A_24 : vector<4096x1xf32> to vector<4096x64xf32>
      %div3A_25 = arith.divf %get3A_13, %div3A : vector<4096x64xf32>
      %max3A_26 = arith.constant 9.99999996E-13 : f32
      %max3A_27 = vector.broadcast %max3A_26 : f32 to vector<4096x1xf32>
      %max3A_28 = arith.maximumf %sqrt3A_22, %max3A_27 : vector<4096x1xf32>
      %div3A_29 = vector.broadcast %max3A_28 : vector<4096x1xf32> to vector<4096x64xf32>
      %div3A_30 = arith.divf %get3A_16, %div3A_29 : vector<4096x64xf32>
      %get3A_31 = arith.constant 0 : index
      %get3A_32 = arith.constant 0 : index
      %get3A_33 = vector.load %arg4[%get3A_31, %get3A_32] : memref<64x64xf32, #tpu.memory_space<vmem>>, vector<64x64xf32>
      %dot_general3A = arith.constant dense<0.000000e+00> : vector<4096x64xf32>
      %dot_general3A_34 = tpu.matmul %div3A_25, %get3A_33, %dot_general3A {dimension_numbers = #tpu.dot_dimension_numbers<[1], [0], [0], [1], [0, 0, 1, 1], [], []>, transpose_lhs_hint = false} : vector<4096x64xf32>, vector<64x64xf32>, vector<4096x64xf32> -> vector<4096x64xf32>
      %get3A_35 = arith.constant 0 : index
      %get3A_36 = arith.constant 0 : index
      %get3A_37 = vector.load %arg5[%get3A_35, %get3A_36] : memref<64x64xf32, #tpu.memory_space<vmem>>, vector<64x64xf32>
      %dot_general3A_38 = arith.constant dense<0.000000e+00> : vector<4096x64xf32>
      %dot_general3A_39 = tpu.matmul %div3A_30, %get3A_37, %dot_general3A_38 {dimension_numbers = #tpu.dot_dimension_numbers<[1], [0], [0], [1], [0, 0, 1, 1], [], []>, transpose_lhs_hint = false} : vector<4096x64xf32>, vector<64x64xf32>, vector<4096x64xf32> -> vector<4096x64xf32>
      %add3A = arith.addf %dot_general3A_34, %dot_general3A_39 : vector<4096x64xf32>
      %get3A_40 = arith.constant 0 : index
      %get3A_41 = arith.constant 0 : index
      %get3A_42 = vector.load %arg6[%get3A_40, %get3A_41] : memref<1x64xf32, #tpu.memory_space<vmem>>, vector<1x64xf32>
      %add3A_43 = vector.broadcast %get3A_42 : vector<1x64xf32> to vector<4096x64xf32>
      %add3A_44 = arith.addf %add3A, %add3A_43 : vector<4096x64xf32>
      %max3A_45 = arith.constant 0.000000e+00 : f32
      %max3A_46 = vector.broadcast %max3A_45 : f32 to vector<4096x64xf32>
      %max3A_47 = arith.maximumf %add3A_44, %max3A_46 : vector<4096x64xf32>
      %mul3A_48 = arith.constant 4096 : i32
      %mul3A_49 = arith.muli %arg1, %mul3A_48 : i32
      %swap3A = arith.index_cast %mul3A_49 : i32 to index
      %swap3A_50 = arith.constant 0 : index
      %swap3A_51 = vector.load %arg14[%swap3A, %swap3A_50] : memref<16384x64xf32, #tpu.memory_space<vmem>>, vector<4096x64xf32>
      tpu.vector_store %arg14[%swap3A, %swap3A_50], %max3A_47 {strides = array<i32>} : memref<16384x64xf32, #tpu.memory_space<vmem>>, vector<4096x64xf32>,
      %get3A_52 = arith.constant 0 : index
      %get3A_53 = arith.constant 0 : index
      %get3A_54 = vector.load %arg15[%get3A_52, %get3A_53] : memref<2x64xf32, #tpu.memory_space<vmem>>, vector<1x64xf32>
      %reduce_sum3A_55 = arith.constant dense<0.000000e+00> : vector<64xf32>
      %reduce_sum3A_56 = vector.multi_reduction <add>, %max3A_47, %reduce_sum3A_55 [0] : vector<4096x64xf32> to vector<64xf32>
      %broadcast_in_dim3A_57 = vector.shape_cast %reduce_sum3A_56 : vector<64xf32> to vector<1x64xf32>
      %add3A_58 = arith.addf %get3A_54, %broadcast_in_dim3A_57 : vector<1x64xf32>
      %swap3A_59 = arith.constant 0 : index
      %swap3A_60 = arith.constant 0 : index
      %swap3A_61 = vector.load %arg15[%swap3A_59, %swap3A_60] : memref<2x64xf32, #tpu.memory_space<vmem>>, vector<1x64xf32>
      tpu.vector_store %arg15[%swap3A_59, %swap3A_60], %add3A_58 {strides = array<i32>} : memref<2x64xf32, #tpu.memory_space<vmem>>, vector<1x64xf32>,
      %get3A_62 = arith.constant 1 : index
      %get3A_63 = arith.constant 0 : index
      %get3A_64 = vector.load %arg15[%get3A_62, %get3A_63] : memref<2x64xf32, #tpu.memory_space<vmem>>, vector<1x64xf32>
      %mul3A_65 = arith.mulf %max3A_47, %max3A_47 : vector<4096x64xf32>
      %reduce_sum3A_66 = arith.constant dense<0.000000e+00> : vector<64xf32>
      %reduce_sum3A_67 = vector.multi_reduction <add>, %mul3A_65, %reduce_sum3A_66 [0] : vector<4096x64xf32> to vector<64xf32>
      %broadcast_in_dim3A_68 = vector.shape_cast %reduce_sum3A_67 : vector<64xf32> to vector<1x64xf32>
      %add3A_69 = arith.addf %get3A_64, %broadcast_in_dim3A_68 : vector<1x64xf32>
      %swap3A_70 = arith.constant 1 : index
      %swap3A_71 = arith.constant 0 : index
      %swap3A_72 = vector.load %arg15[%swap3A_70, %swap3A_71] : memref<2x64xf32, #tpu.memory_space<vmem>>, vector<1x64xf32>
      tpu.vector_store %arg15[%swap3A_70, %swap3A_71], %add3A_69 {strides = array<i32>} : memref<2x64xf32, #tpu.memory_space<vmem>>, vector<1x64xf32>,
    } else {
    }
    %eq3A_2 = arith.constant 1 : i32
    %eq3A_3 = arith.cmpi eq, %arg0, %eq3A_2 : i32
    %convert_element_type3A_4 = arith.extui %eq3A_3 : i1 to i32
    %cond3A_5 = arith.constant 0 : i32
    %cond3A_6 = arith.cmpi ne, %convert_element_type3A_4, %cond3A_5 : i32
    scf.if %cond3A_6 {
      %get3A = arith.constant 0 : index
      %get3A_7 = arith.constant 0 : index
      %get3A_8 = vector.load %arg15[%get3A, %get3A_7] : memref<2x64xf32, #tpu.memory_space<vmem>>, vector<1x64xf32>
      %mul3A = arith.constant 6.10351563E-5 : f32
      %mul3A_9 = vector.broadcast %mul3A : f32 to vector<1x64xf32>
      %mul3A_10 = arith.mulf %get3A_8, %mul3A_9 : vector<1x64xf32>
      %get3A_11 = arith.constant 1 : index
      %get3A_12 = arith.constant 0 : index
      %get3A_13 = vector.load %arg15[%get3A_11, %get3A_12] : memref<2x64xf32, #tpu.memory_space<vmem>>, vector<1x64xf32>
      %mul3A_14 = arith.constant 6.10351563E-5 : f32
      %mul3A_15 = vector.broadcast %mul3A_14 : f32 to vector<1x64xf32>
      %mul3A_16 = arith.mulf %get3A_13, %mul3A_15 : vector<1x64xf32>
      %mul3A_17 = arith.mulf %mul3A_10, %mul3A_10 : vector<1x64xf32>
      %sub3A = arith.subf %mul3A_16, %mul3A_17 : vector<1x64xf32>
      %mul3A_18 = arith.constant 4096 : i32
      %mul3A_19 = arith.muli %arg1, %mul3A_18 : i32
      %get3A_20 = arith.index_cast %mul3A_19 : i32 to index
      %get3A_21 = arith.constant 0 : index
      %get3A_22 = vector.load %arg14[%get3A_20, %get3A_21] : memref<16384x64xf32, #tpu.memory_space<vmem>>, vector<4096x64xf32>
      %sub3A_23 = vector.broadcast %mul3A_10 : vector<1x64xf32> to vector<4096x64xf32>
      %sub3A_24 = arith.subf %get3A_22, %sub3A_23 : vector<4096x64xf32>
      %add3A = arith.constant 9.99999974E-6 : f32
      %add3A_25 = vector.broadcast %add3A : f32 to vector<1x64xf32>
      %add3A_26 = arith.addf %sub3A, %add3A_25 : vector<1x64xf32>
      %sqrt3A = math.sqrt %add3A_26 : vector<1x64xf32>
      %div3A = vector.broadcast %sqrt3A : vector<1x64xf32> to vector<4096x64xf32>
      %div3A_27 = arith.divf %sub3A_24, %div3A : vector<4096x64xf32>
      %get3A_28 = arith.constant 0 : index
      %get3A_29 = arith.constant 0 : index
      %get3A_30 = vector.load %arg7[%get3A_28, %get3A_29] : memref<1x64xf32, #tpu.memory_space<vmem>>, vector<1x64xf32>
      %mul3A_31 = vector.broadcast %get3A_30 : vector<1x64xf32> to vector<4096x64xf32>
      %mul3A_32 = arith.mulf %div3A_27, %mul3A_31 : vector<4096x64xf32>
      %get3A_33 = arith.constant 0 : index
      %get3A_34 = arith.constant 0 : index
      %get3A_35 = vector.load %arg8[%get3A_33, %get3A_34] : memref<1x64xf32, #tpu.memory_space<vmem>>, vector<1x64xf32>
      %add3A_36 = vector.broadcast %get3A_35 : vector<1x64xf32> to vector<4096x64xf32>
      %add3A_37 = arith.addf %mul3A_32, %add3A_36 : vector<4096x64xf32>
      %get3A_38 = arith.constant 0 : index
      %get3A_39 = arith.constant 0 : index
      %get3A_40 = vector.load %arg9[%get3A_38, %get3A_39] : memref<64x64xf32, #tpu.memory_space<vmem>>, vector<64x64xf32>
      %dot_general3A = arith.constant dense<0.000000e+00> : vector<4096x64xf32>
      %dot_general3A_41 = tpu.matmul %add3A_37, %get3A_40, %dot_general3A {dimension_numbers = #tpu.dot_dimension_numbers<[1], [0], [0], [1], [0, 0, 1, 1], [], []>, transpose_lhs_hint = false} : vector<4096x64xf32>, vector<64x64xf32>, vector<4096x64xf32> -> vector<4096x64xf32>
      %get3A_42 = arith.constant 0 : index
      %get3A_43 = arith.constant 0 : index
      %get3A_44 = vector.load %arg10[%get3A_42, %get3A_43] : memref<1x64xf32, #tpu.memory_space<vmem>>, vector<1x64xf32>
      %add3A_45 = vector.broadcast %get3A_44 : vector<1x64xf32> to vector<4096x64xf32>
      %add3A_46 = arith.addf %dot_general3A_41, %add3A_45 : vector<4096x64xf32>
      %max3A = arith.constant 0.000000e+00 : f32
      %max3A_47 = vector.broadcast %max3A : f32 to vector<4096x64xf32>
      %max3A_48 = arith.maximumf %add3A_46, %max3A_47 : vector<4096x64xf32>
      %get3A_49 = arith.constant 0 : index
      %get3A_50 = arith.constant 0 : index
      %get3A_51 = vector.load %arg11[%get3A_49, %get3A_50] : memref<64x2xf32, #tpu.memory_space<vmem>>, vector<64x2xf32>
      %dot_general3A_52 = arith.constant dense<0.000000e+00> : vector<4096x2xf32>
      %dot_general3A_53 = tpu.matmul %max3A_48, %get3A_51, %dot_general3A_52 {dimension_numbers = #tpu.dot_dimension_numbers<[1], [0], [0], [1], [0, 0, 1, 1], [], []>, transpose_lhs_hint = false} : vector<4096x64xf32>, vector<64x2xf32>, vector<4096x2xf32> -> vector<4096x2xf32>
      %get3A_54 = arith.constant 0 : index
      %get3A_55 = arith.constant 0 : index
      %get3A_56 = vector.load %arg12[%get3A_54, %get3A_55] : memref<1x2xf32, #tpu.memory_space<vmem>>, vector<1x2xf32>
      %add3A_57 = vector.broadcast %get3A_56 : vector<1x2xf32> to vector<4096x2xf32>
      %add3A_58 = arith.addf %dot_general3A_53, %add3A_57 : vector<4096x2xf32>
      %swap3A = arith.constant 0 : index
      %swap3A_59 = arith.constant 0 : index
      %swap3A_60 = vector.load %arg13[%swap3A, %swap3A_59] : memref<4096x2xf32, #tpu.memory_space<vmem>>, vector<4096x2xf32>
      tpu.vector_store %arg13[%swap3A, %swap3A_59], %add3A_58 {strides = array<i32>} : memref<4096x2xf32, #tpu.memory_space<vmem>>, vector<4096x2xf32>,
    } else {
    }
    return
  }
  func.func @transform_0(%arg0: i32, %arg1: i32) -> (i32, i32) {
    %eq3A = arith.constant 0 : i32
    %eq3A_0 = arith.cmpi eq, %arg0, %eq3A : i32
    %jit3A = arith.constant 0 : i32
    %select_n3A = arith.select %eq3A_0, %arg1, %jit3A : i32
    %c0_i32 = arith.constant 0 : i32
    %c0_i32_1 = arith.constant 0 : i32
    return %select_n3A, %c0_i32 : i32, i32
  }
  func.func @transform_1(%arg0: i32, %arg1: i32) -> (i32, i32) {
    %eq3A = arith.constant 0 : i32
    %eq3A_0 = arith.cmpi eq, %arg0, %eq3A : i32
    %jit3A = arith.constant 0 : i32
    %select_n3A = arith.select %eq3A_0, %arg1, %jit3A : i32
    %c0_i32 = arith.constant 0 : i32
    %c0_i32_1 = arith.constant 0 : i32
    return %select_n3A, %c0_i32 : i32, i32
  }
  func.func @transform_2(%arg0: i32, %arg1: i32) -> (i32, i32) {
    %c0_i32 = arith.constant 0 : i32
    %c0_i32_0 = arith.constant 0 : i32
    %c0_i32_1 = arith.constant 0 : i32
    return %c0_i32, %c0_i32_0 : i32, i32
  }
  func.func @transform_3(%arg0: i32, %arg1: i32) -> (i32, i32) {
    %c0_i32 = arith.constant 0 : i32
    %c0_i32_0 = arith.constant 0 : i32
    %c0_i32_1 = arith.constant 0 : i32
    return %c0_i32, %c0_i32_0 : i32, i32
  }
  func.func @transform_4(%arg0: i32, %arg1: i32) -> (i32, i32) {
    %c0_i32 = arith.constant 0 : i32
    %c0_i32_0 = arith.constant 0 : i32
    %c0_i32_1 = arith.constant 0 : i32
    return %c0_i32, %c0_i32_0 : i32, i32
  }
  func.func @transform_5(%arg0: i32, %arg1: i32) -> (i32, i32) {
    %c0_i32 = arith.constant 0 : i32
    %c0_i32_0 = arith.constant 0 : i32
    %c0_i32_1 = arith.constant 0 : i32
    return %c0_i32, %c0_i32_0 : i32, i32
  }
  func.func @transform_6(%arg0: i32, %arg1: i32) -> (i32, i32) {
    %c0_i32 = arith.constant 0 : i32
    %c0_i32_0 = arith.constant 0 : i32
    %c0_i32_1 = arith.constant 0 : i32
    return %c0_i32, %c0_i32_0 : i32, i32
  }
  func.func @transform_7(%arg0: i32, %arg1: i32) -> (i32, i32) {
    %c0_i32 = arith.constant 0 : i32
    %c0_i32_0 = arith.constant 0 : i32
    %c0_i32_1 = arith.constant 0 : i32
    return %c0_i32, %c0_i32_0 : i32, i32
  }
  func.func @transform_8(%arg0: i32, %arg1: i32) -> (i32, i32) {
    %c0_i32 = arith.constant 0 : i32
    %c0_i32_0 = arith.constant 0 : i32
    %c0_i32_1 = arith.constant 0 : i32
    return %c0_i32, %c0_i32_0 : i32, i32
  }
  func.func @transform_9(%arg0: i32, %arg1: i32) -> (i32, i32) {
    %c0_i32 = arith.constant 0 : i32
    %c0_i32_0 = arith.constant 0 : i32
    %c0_i32_1 = arith.constant 0 : i32
    return %c0_i32, %c0_i32_0 : i32, i32
  }
  func.func @transform_10(%arg0: i32, %arg1: i32) -> (i32, i32) {
    %c0_i32 = arith.constant 0 : i32
    %c0_i32_0 = arith.constant 0 : i32
    %c0_i32_1 = arith.constant 0 : i32
    return %c0_i32, %c0_i32_0 : i32, i32
  }
  func.func @transform_11(%arg0: i32, %arg1: i32) -> (i32, i32) {
    %eq3A = arith.constant 1 : i32
    %eq3A_0 = arith.cmpi eq, %arg0, %eq3A : i32
    %jit3A = arith.constant 0 : i32
    %select_n3A = arith.select %eq3A_0, %arg1, %jit3A : i32
    %c0_i32 = arith.constant 0 : i32
    %c0_i32_1 = arith.constant 0 : i32
    return %select_n3A, %c0_i32 : i32, i32
  }
}

</mosaic_0001>

<sc_bundles>
// kernel: kernel.5.cloned.1.call-start
scs
__scs_entry_jumppad:
0x0: {  	(pc) =	sbr.rel $0x88, $3  }
0x1: {  	(tag) =	ssettag $0x0;
	lr =	simm.s32 $0x1  }
0x2: {  	[smem:$0x3F96] =	sst lr;
	_ =	strace $0xD0000000  }
0x3: {  	_ = 	snop  }
0x4: {  	_ = 	snop  }
0x5: {  	_ = 	snop  }
0x6: {  	_ = 	snop  }
0x7: {  	_ = 	snop  }
__scs_overlays_trampoline_lowered:
0x8: {  	[smem:$0x3FA5] =	sst s0  }
0x9: {  	[smem:$0x3FA6] =	sst s1  }
0xa: {  	[smem:$0x3FA7] =	sst s2  }
0xb: {  	[smem:$0x3FA8] =	sst s3  }
0xc: {  	[smem:$0x3FA9] =	sst s4  }
0xd: {  	[smem:$0x3FAA] =	sst s5  }
0xe: {  	[smem:$0x3FAB] =	sst s6  }
0xf: {  	[smem:$0x3FAC] =	sst s7  }
0x10: {  	[smem:$0x3FAD] =	sst s8  }
0x11: {  	[smem:$0x3FAE] =	sst s9;
	s0 =	simm.s32 @!p0 $0x0  }
0x12: {  	s1 =	sld [smem:$0x3F94];
	s0 =	simm.s32 @p0 $0x1  }
0x13: {  	[smem:$0x3FAF] =	sst s0;
	s0 =	simm.s32 @!p1 $0x0  }
0x14: {  	s2 =	sld [smem:$0x3F93];
	s0 =	simm.s32 @p1 $0x1  }
0x15: {  	[smem:$0x3FB0] =	sst s0;
	s0 =	simm.s32 @!p2 $0x0  }
0x16: {  	s3 =	sld [smem:$0x3FDB];
	s0 =	simm.s32 @p2 $0x1  }
0x17: {  	s4 =	simm.s32 $0x1BF5;
	[smem:$0x3FB2] =	sst s0  }
0x18: {  	s0 =	sld [smem:$0x3F95];
	_ =	swait.ge [sflag:s4], $0x0  }
0x19: {  	s7 =	sld [smem:$0x3F96]  }
0x1a: {  	s8 =	sadd.s32 $0xFFFFE003, lr  }
0x1b: {  	s9 =	sadd.s32 $0xFFFFFEF7, lr;
	s5 =	simm.s32 $0xFFFFFFFF;
	p2 =	slt.u32 s8, $0xFFFFF086  }
0x1c: {  	p1 =	slt.u32 s9, $0xF7A;
	s5 =	simm.s32 @!p2 $0x0  }
0x1d: {  	s5 =	simm.s32 @p1 $0x1;
	p0 =	seq.s32 s7, s2  }
0x1e: {  	s7 =	smul.u32 @!p0 $0xF7A, s2;
	p2 =	seq.s32 @!p0 s5, $0x0  }
0x1f: {  	s9 =	smul.u32 $0xF7A, s1;
	s8 =	simm.s32 @!p0 $0x1BF5;
	p2 =	por !p2, p0  }
0x20: {  	[sflag:s8] =	ssyncset.s32 @!p0 $0xFFFFF086;
	s6 =	sadd.s32 @!p0 s3, s7;
	s7 =	simm.s32 @!p0 $0x108  }
0x21: {  	s3 =	sadd.s32 s3, s9;
	s6 =	sadd.s32 @!p0 $0x88, s6;
	s7 =	simm.s32 @p2 $0x1082  }
0x22: {  	[simem:s7], [sflag:s8] =	dma.local @!p0 [hbm:s6], $0xF7A  }
0x23: {  	s9 =	sor.u32 $0xD0000000, s2;
	s6 =	simm.s32 $0x108;
	_ =	swait.ge @!p0 [sflag:s8], $0x0  }
0x24: {  	s3 =	sadd.s32 $0x88, s3;
	s6 =	simm.s32 @!p1 $0x1082;
	[sflag:s4] =	ssyncset.s32 $0xFFFFF086  }
0x25: {  	[simem:s6], [sflag:s4] =	dma.local [hbm:s3], $0xF7A  }
0x26: {  	[smem:$0x3F96] =	sst s1;
	(tag) =	ssettag s2;
	_ =	strace s9  }
0x27: {  	s1 =	sld [smem:$0x3FA6]  }
0x28: {  	s2 =	sld [smem:$0x3FA7]  }
0x29: {  	s4 =	sld [smem:$0x3FA9]  }
0x2a: {  	p0 =	seq.s32 s5, $0x0;
	s5 =	sld [smem:$0x3FAA]  }
0x2b: {  	s6 =	sld [smem:$0x3FAB]  }
0x2c: {  	s7 =	sld [smem:$0x3FAC]  }
0x2d: {  	s3 =	simm.s32 $0x108;
	s8 =	sld [smem:$0x3FAD]  }
0x2e: {  	s3 =	simm.s32 @!p0 $0x1082;
	s9 =	sld [smem:$0x3FAE]  }
0x2f: {  	lr =	sadd.s32 s0, s3;
	s0 =	sld [smem:$0x3FA5]  }
0x30: {  	s3 =	sld [smem:$0x3FA8]  }
0x31: {  	[smem:$0x3FB1] =	sst s10  }
0x32: {  	s10 =	sld [smem:$0x3FAF];
	_ =	sdelay $0x3  }
0x33: {  	p0 =	seq.s32 s10, $0x1;
	s10 =	sld [smem:$0x3FB1];
	_ =	sdelay $0x3  }
0x34: {  	[smem:$0x3FB1] =	sst s10  }
0x35: {  	s10 =	sld [smem:$0x3FB0];
	_ =	sdelay $0x3  }
0x36: {  	p1 =	seq.s32 s10, $0x1;
	s10 =	sld [smem:$0x3FB1];
	_ =	sdelay $0x3  }
0x37: {  	[smem:$0x3FB1] =	sst s10  }
0x38: {  	s10 =	sld [smem:$0x3FB2]  }
0x39: {  	_ = 	snop;
	(pc) =	sbr.ind lr, $3  }
0x3a: {  	_ = 	snop  }
0x3b: {  	_ = 	snop  }
0x3c: {  	p2 =	seq.s32 s10, $0x1;
	s10 =	sld [smem:$0x3FB1]  }
0x3d: {  	_ =	shalt  }
0x3e: {  	_ =	shalt  }
0x3f: {  	_ =	shalt  }
0x40: {  	_ =	shalt  }
0x41: {  	_ =	shalt  }
0x42: {  	_ =	shalt  }
0x43: {  	_ =	shalt  }
0x44: {  	_ =	shalt  }
0x45: {  	_ =	shalt  }
0x46: {  	_ =	shalt  }
0x47: {  	_ =	shalt  }
0x48: {  	_ =	shalt  }
0x49: {  	_ =	shalt  }
0x4a: {  	_ =	shalt  }
0x4b: {  	_ =	shalt  }
0x4c: {  	_ =	shalt  }
0x4d: {  	_ =	shalt  }
0x4e: {  	_ =	shalt  }
0x4f: {  	_ =	shalt  }
0x50: {  	_ =	shalt  }
0x51: {  	_ =	shalt  }
0x52: {  	_ =	shalt  }
0x53: {  	_ =	shalt  }
0x54: {  	_ =	shalt  }
0x55: {  	_ =	shalt  }
0x56: {  	_ =	shalt  }
0x57: {  	_ =	shalt  }
0x58: {  	_ =	shalt  }
0x59: {  	_ =	shalt  }
0x5a: {  	_ =	shalt  }
0x5b: {  	_ =	shalt  }
0x5c: {  	_ =	shalt  }
0x5d: {  	_ =	shalt  }
0x5e: {  	_ =	shalt  }
0x5f: {  	_ =	shalt  }
0x60: {  	_ =	shalt  }
0x61: {  	_ =	shalt  }
0x62: {  	_ =	shalt  }
0x63: {  	_ =	shalt  }
0x64: {  	_ =	shalt  }
0x65: {  	_ =	shalt  }
0x66: {  	_ =	shalt  }
0x67: {  	_ =	shalt  }
0x68: {  	_ =	shalt  }
0x69: {  	_ =	shalt  }
0x6a: {  	_ =	shalt  }
0x6b: {  	_ =	shalt  }
0x6c: {  	_ =	shalt  }
0x6d: {  	_ =	shalt  }
0x6e: {  	_ =	shalt  }
0x6f: {  	_ =	shalt  }
0x70: {  	_ =	shalt  }
0x71: {  	_ =	shalt  }
0x72: {  	_ =	shalt  }
0x73: {  	_ =	shalt  }
0x74: {  	_ =	shalt  }
0x75: {  	_ =	shalt  }
0x76: {  	_ =	shalt  }
0x77: {  	_ =	shalt  }
0x78: {  	_ =	shalt  }
0x79: {  	_ =	shalt  }
0x7a: {  	_ =	shalt  }
0x7b: {  	_ =	shalt  }
0x7c: {  	_ =	shalt  }
0x7d: {  	_ =	shalt  }
0x7e: {  	_ =	shalt  }
0x7f: {  	_ =	shalt  }
0x80: {  	_ =	shalt  }
0x81: {  	_ =	shalt  }
0x82: {  	_ =	shalt  }
0x83: {  	_ =	shalt  }
0x84: {  	_ =	shalt  }
0x85: {  	_ =	shalt  }
0x86: {  	_ =	shalt  }
0x87: {  	_ =	shalt  }
.Lfunc_end0:
.L_simem_size_0:
called_computation_lowered:
.L_overlay_start_0:
0x88: {  	s2 =	sld [smem:$0x3FD9]  }
0x89: {  	s3 =	sld [smem:$0x3FFE];
	_ =	sdelay $0x1  }
0x8a: {  	s1 =	srdreg.scid  }
0x8b: {  	s0 =	sand.u32 $0x1, s1  }
0x8c: {  	s17 =	sshll.u32 s0, $0xA;
	s2 =	sadd.s32 s3, s2  }
0x8d: {  	s2 =	sadd.s32 s2, s17  }
0x8e: {  	[smem:$0x3FBD] =	sst s2  }
0x8f: {  	_ = 	snop  }
0x90: {  	s18 =	sld [smem:$0x3FD0];
	(tm) =	ssettm $0x1  }
0x91: {  	s19 =	sld [smem:$0x3FFB];
	_ =	sdelay $0x3  }
0x92: {  	_ =	strace s19  }
0x93: {  	s2 =	sld [smem:$0x3FFC];
	_ =	sdelay $0x3  }
0x94: {  	_ =	strace s2  }
0x95: {  	s2 =	sld [smem:$0x3FFD];
	_ =	sdelay $0x3  }
0x96: {  	_ =	strace s2  }
0x97: {  	_ =	strace $0x8FFFFFFF  }
0x98: {  	s20 =	sld [smem:$0x3FDB];
	_ =	sdelay $0x1  }
0x99: {  	s4 =	simm.s32 $_scs_section_size  }
0x9a: {  	s5 =	simm.s32 $_size__tile_overlayer_lowered;
	s6 =	simm.s32 $_tile_overlayer_lowered  }
0x9b: {  	s7 =	simm.s32 $0x1BFF;
	s21 =	sshll.u32 s6, $0x1;
	s4 =	sadd.s32 s4, s20  }
0x9c: {  	s22 =	simm.s32 $0x0;
	s5 =	sshll.u32 s5, $0x1;
	s6 =	sadd.s32 s21, s4  }
0x9d: {  	[timem:s22], [sflag:s7] =	dma.local [hbm:s6], s5  }
0x9e: {  	_ =	swait.ge [sflag:s7], s5  }
0x9f: {  	s5 =	ssub.s32 $0x0, s5;
	[sflag:s7] =	ssyncset.done $0x0  }
0xa0: {  	[sflag:s7] =	ssyncadd.s32 s5;
	_ =	sdelay $0x1  }
0xa1: {  	s23 =	simm.s32 $0x1B8B  }
0xa2: {  	_ =	swait.ge [sflag:s23], $0x1  }
0xa3: {  	[sflag:s23] =	ssyncset.done $0x0  }
0xa4: {  	[sflag:s23] =	ssyncadd.s32 $0xFFFFFFFF  }
0xa5: {  	s5 =	sld [smem:$0x0]  }
0xa6: {  	s6 =	sand.u32 $0xFFFFFFFE, s1  }
0xa7: {  	p0 =	sne.s32 s1, s6  }
0xa8: {  	s6 =	sshll.u32 @p0 s6, $0xE  }
0xa9: {  	s6 =	sadd.s32 @p0 $0x11B8D, s6;
	s7 =	sshll.u32 @p0 s5, $0x11  }
0xaa: {  	s6 =	sor.u32 @p0 s7, s6  }
0xab: {  	[sflag:s6] =	ssyncadd.remote.s32 @p0 $0x1;
	_ =	sdelay $0x1  }
0xac: {  	s6 =	simm.s32 @p0 $0x1B8D  }
0xad: {  	_ =	swait.eq @p0 [sflag:s6], $0x1  }
0xae: {  	[sflag:s6] =	ssyncadd.s32 @p0 $0xFFFFFFFF  }
0xaf: {  	s7 =	sshll.u32 @!p0 s1, $0xE  }
0xb0: {  	s7 =	sor.u32 @!p0 $0x4000, s7;
	s6 =	simm.s32 @!p0 $0x1B8D  }
0xb1: {  	s5 =	sshll.u32 @!p0 s5, $0x11;
	s7 =	sadd.s32 @!p0 $0x11B8D, s7;
	_ =	swait.eq @!p0 [sflag:s6], $0x1  }
0xb2: {  	s5 =	sor.u32 @!p0 s5, s7;
	[sflag:s6] =	ssyncadd.s32 @!p0 $0xFFFFFFFF  }
0xb3: {  	s25 =	simm.s32 $0x1B8E;
	s24 =	sld [smem:$0x3FFE];
	[sflag:s5] =	ssyncadd.remote.s32 @!p0 $0x1  }
0xb4: {  	s26 =	simm.s32 $execute0_lowered;
	[smem:$0x3FD2] =	sst s25  }
0xb5: {  	s6 =	sshll.u32 s26, $0x1;
	_ =	strace $0x80000049;
	[dreg:$0x1] =	wrdreg $0xFFFFFFFF  }
0xb6: {  	s28 =	simm.s32 $_size_execute0_lowered;
	s4 =	sadd.s32 s4, s6;
	[dreg:$0x0] =	wrdreg $0x0  }
0xb7: {  	s6 =	sshll.u32 s28, $0x1;
	[dreg:$0x2] =	wrdreg s4  }
0xb8: {  	[dreg:$0x3] =	wrdreg s6  }
0xb9: {  	[dreg:$0x4] =	wrdreg $0xC0  }
0xba: {  	_ =	task [dreg:s22], $0x5FFFF  }
0xbb: {  	[dreg:$0x1] =	wrdreg $0xFFFFFFFF  }
0xbc: {  	[dreg:$0x0] =	wrdreg $0x60  }
0xbd: {  	[dreg:$0x2] =	wrdreg s24  }
0xbe: {  	[dreg:$0x3] =	wrdreg s18  }
0xbf: {  	[dreg:$0x4] =	wrdreg $0x9  }
0xc0: {  	_ =	task.clear_ibuf [dreg:s22], $0x5FFFF;
	_ =	strace $0x90000049  }
0xc1: {  	s29 =	simm.s32 $0x9;
	_ =	strace $0x8000004B  }
0xc2: {  	_ =	swait.ge [sflag:s29], $0x1  }
0xc3: {  	[sflag:s29] =	ssyncadd.s32 $0xFFFFFFFF  }
0xc4: {  	_ =	strace $0x9000004B  }
0xc5: {  	_ =	sfence  }
0xc6: {  	s30 =	sld [smem:$0x0];
	_ =	sdelay $0x2  }
0xc7: {  	s31 =	sshll.u32 s1, $0xD;
	s1 =	sshrl.u32 s1, $0x2  }
0xc8: {  	s4 =	sand.u32 $0x4000, s31;
	s1 =	sadd.s32 s1, s30  }
0xc9: {  	s0 =	sor.u32 s4, s0;
	s1 =	sshll.u32 s1, $0x11  }
0xca: {  	s0 =	sor.u32 s1, s0  }
0xcb: {  	s0 =	sadd.s32 $0x8F2B, s0  }
0xcc: {  	[sflag:s0] =	ssyncadd.remote.s32 $0x1  }
0xcd: {  	_ =	sfence.sel $0xFFFF  }
0xce: {  	[dreg:$0x0] =	wrdreg $0xFFFFFFFF;
	(pc) =	sbr.abs _section_cstart, $3  }
0xcf: {  	[dreg:$0x1] =	wrdreg $0xFFFFFFFF  }
0xd0: {  	_ =	task.clear_ibuf [dreg:s22], $0x2FFFF;
	_ =	strace $0x9FFFFFFF  }
0xd1: {  	(tm) =	ssettm $0x7FFFFFFF  }
tec
execute0_lowered:
.L_overlay_start_1:
0x0: {  	(tag) =	ssettag $0x1  }
0x1: {  	s1 =	srdreg.scid  }
0x2: {  	s8 =	rddreg [dreg:$0x0];
	s0 =	stileid.u32  }
0x3: {  	s3 =	rddreg [dreg:$0x1];
	s2 =	simm.s32 $0x0;
	s6 =	sand.u32 $0x1, s1  }
0x4: {  	s4 =	sshll.u32 s0, $0xA;
	s1 =	rddreg [dreg:$0x2];
	s5 =	sshll.u32 s6, $0x9  }
0x5: {  	s7 =	simm.s32 $0x1;
	[smem:$0x7FF] =	sst s2;
	s9 =	sor.u32 s5, s4  }
0x6: {  	_ =	strace $0x8000004A;
	s10 =	ssub.s32 $0x2, s6;
	s4 =	sshrl.u32 s9, $0x3  }
0x7: {  	s6 =	simm.s32 $0x200;
	s4 =	sadd.s32 s3, s4;
	s3 =	simm.s32 $0x2  }
0x8: {  	[tilespmem:s2], [sflag:$0x2] =	stream.linear.gather [hbm4b:s4+s2], $0x200, $0x38;
	[tilespmem:$0x8200] =	vst v63  }
0x9: {  	s5 =	sadd.s32 $0x23600, s8;
	s11 =	sshrl.u32 s10, $0x1;
	_ =	swait.ge [sflag:s3], $0x200  }
0xa: {  	s9 =	sshll.u32 s9, $0x3;
	s31 =	ssub.s32 s10, s11;
	[sflag:s3] =	ssyncset.done $0x0  }
0xb: {  	s8 =	sadd.s32 s9, s8;
	s9 =	smax.u32 s31, $0x1;
	[sflag:s3] =	ssyncadd.s32 $0xFFFFFE00  }
0xc: {  	[tilespmem:s6], [sflag:$0x1] =	stream.indirect.gather [hbm4b:s5+s6], $0x40, s2, s6, $0xb8;
	[tilespmem:$0x8200] =	vst v63  }
0xd: {  	p0 =	sne.s32 s9, $0x1;
	_ =	swait.ge [sflag:s7], $0x8000  }
.Ltmp0:
0xe: {  	[sflag:s7] =	ssyncset.done $0x0;
	(pc) =	sbr.rel @!p0 .LBB2_2-.Ltmp0, $4  }
0xf: {  	s8 =	sadd.s32 $0xE6C00, s8;
	[sflag:s7] =	ssyncadd.s32 $0xFFFF8000  }
0x10: {  	[hbm4b:s8+s2] =	stream.linear.scatter [tilespmem:s6], [sflag:$0x2], $0x8000, $0x38;
	[tilespmem:$0x8200] =	vst v63  }
0x11: {  	_ =	swait.ge [sflag:s3], $0x8000  }
0x12: {  	s9 =	sadd.s32 $0xFFFFFFFF, s9;
	[sflag:s3] =	ssyncset.done $0x0  }
.LBB2_1:
0x13: {  	p0 =	sne.s32 s9, $0x1;
	s9 =	sadd.s32 $0xFFFFFFFF, s9;
	[sflag:s3] =	ssyncadd.s32 $0xFFFF8000  }
0x14: {  	[tilespmem:s2], [sflag:$0x2] =	stream.linear.gather [hbm4b:s4+s2], $0x200, $0x38;
	[tilespmem:$0x8200] =	vst v63  }
0x15: {  	_ =	swait.ge [sflag:s3], $0x200  }
0x16: {  	[sflag:s3] =	ssyncset.done $0x0  }
0x17: {  	[sflag:s3] =	ssyncadd.s32 $0xFFFFFE00  }
0x18: {  	[tilespmem:s6], [sflag:$0x1] =	stream.indirect.gather [hbm4b:s5+s6], $0x40, s2, s6, $0xb8;
	[tilespmem:$0x8200] =	vst v63  }
0x19: {  	_ =	swait.ge [sflag:s7], $0x8000  }
.Ltmp1:
0x1a: {  	[sflag:s7] =	ssyncset.done $0x0;
	(pc) =	sbr.rel @p0 .LBB2_1-.Ltmp1, $4  }
0x1b: {  	[sflag:s7] =	ssyncadd.s32 $0xFFFF8000  }
0x1c: {  	[hbm4b:s8+s2] =	stream.linear.scatter [tilespmem:s6], [sflag:$0x2], $0x8000, $0x38;
	[tilespmem:$0x8200] =	vst v63  }
0x1d: {  	_ =	swait.ge [sflag:s3], $0x8000  }
0x1e: {  	[sflag:s3] =	ssyncset.done $0x0  }
.LBB2_2:
0x1f: {  	[sflag:s3] =	ssyncadd.s32 $0xFFFF8000  }
0x20: {  	_ =	sfence.sel $0x180000  }
0x21: {  	[bflag:$0x0] =	sbarrier.arrive $0xFFFF  }
0x22: {  	p0 =	sne.s32 s0, $0x0;
	_ =	strace $0x9000004A  }
0x23: {  	s0 =	sadd.s32 @!p0 $0x100000, s1;
	[bflag:$0x2] =	sbarrier.arrive $0xFFFF  }
0x24: {  	[sflag:s0] =	ssyncadd.tile.s32 @!p0 $0x1;
	_ =	shalt  }
.Lfunc_end2:
_tile_overlayer_lowered:
.L_overlay_start_2:
0x25: {  	(tag) =	ssettag $0x2  }
0x26: {  	s0 =	rddreg [dreg:$0x0];
	s2 =	stileid.u32  }
0x27: {  	s1 =	rddreg [dreg:$0x1];
	p0 =	sne.s32 s2, $0x0  }
0x28: {  	s3 =	rddreg [dreg:$0x2];
	[bflag:$0x3] =	sbarrier.arrive $0xFFFF;
	s2 =	simm.s32 @!p0 $0x1C02  }
0x29: {  	[timem:s3], [sflag:s2] =	dma.local @!p0 [hbm:s0], s1  }
0x2a: {  	s0 =	simm.s32 @!p0 $0x2  }
0x2b: {  	_ =	swait.ge @!p0 [sflag:s0], s1  }
0x2c: {  	s1 =	ssub.s32 @!p0 $0x0, s1;
	[sflag:s0] =	ssyncset.done @!p0 $0x0  }
0x2d: {  	[sflag:s0] =	ssyncadd.s32 @!p0 s1  }
0x2e: {  	[bflag:$0x3] =	sbarrier.arrive $0xFFFF  }
0x2f: {  	_ =	shalt  }

// kernel: kernel.8.cloned.1.call-start
scs
__scs_entry_jumppad:
0x0: {  	(pc) =	sbr.rel $0x88, $3  }
0x1: {  	(tag) =	ssettag $0x0;
	lr =	simm.s32 $0x1  }
0x2: {  	[smem:$0x3F96] =	sst lr;
	_ =	strace $0xD0000000  }
0x3: {  	_ = 	snop  }
0x4: {  	_ = 	snop  }
0x5: {  	_ = 	snop  }
0x6: {  	_ = 	snop  }
0x7: {  	_ = 	snop  }
__scs_overlays_trampoline_lowered:
0x8: {  	[smem:$0x3FA5] =	sst s0  }
0x9: {  	[smem:$0x3FA6] =	sst s1  }
0xa: {  	[smem:$0x3FA7] =	sst s2  }
0xb: {  	[smem:$0x3FA8] =	sst s3  }
0xc: {  	[smem:$0x3FA9] =	sst s4  }
0xd: {  	[smem:$0x3FAA] =	sst s5  }
0xe: {  	[smem:$0x3FAB] =	sst s6  }
0xf: {  	[smem:$0x3FAC] =	sst s7  }
0x10: {  	[smem:$0x3FAD] =	sst s8  }
0x11: {  	[smem:$0x3FAE] =	sst s9;
	s0 =	simm.s32 @!p0 $0x0  }
0x12: {  	s1 =	sld [smem:$0x3F94];
	s0 =	simm.s32 @p0 $0x1  }
0x13: {  	[smem:$0x3FAF] =	sst s0;
	s0 =	simm.s32 @!p1 $0x0  }
0x14: {  	s2 =	sld [smem:$0x3F93];
	s0 =	simm.s32 @p1 $0x1  }
0x15: {  	[smem:$0x3FB0] =	sst s0;
	s0 =	simm.s32 @!p2 $0x0  }
0x16: {  	s3 =	sld [smem:$0x3FDB];
	s0 =	simm.s32 @p2 $0x1  }
0x17: {  	s4 =	simm.s32 $0x1BF5;
	[smem:$0x3FB2] =	sst s0  }
0x18: {  	s0 =	sld [smem:$0x3F95];
	_ =	swait.ge [sflag:s4], $0x0  }
0x19: {  	s7 =	sld [smem:$0x3F96]  }
0x1a: {  	s8 =	sadd.s32 $0xFFFFE003, lr  }
0x1b: {  	s9 =	sadd.s32 $0xFFFFFEF7, lr;
	s5 =	simm.s32 $0xFFFFFFFF;
	p2 =	slt.u32 s8, $0xFFFFF086  }
0x1c: {  	p1 =	slt.u32 s9, $0xF7A;
	s5 =	simm.s32 @!p2 $0x0  }
0x1d: {  	s5 =	simm.s32 @p1 $0x1;
	p0 =	seq.s32 s7, s2  }
0x1e: {  	s7 =	smul.u32 @!p0 $0xF7A, s2;
	p2 =	seq.s32 @!p0 s5, $0x0  }
0x1f: {  	s9 =	smul.u32 $0xF7A, s1;
	s8 =	simm.s32 @!p0 $0x1BF5;
	p2 =	por !p2, p0  }
0x20: {  	[sflag:s8] =	ssyncset.s32 @!p0 $0xFFFFF086;
	s6 =	sadd.s32 @!p0 s3, s7;
	s7 =	simm.s32 @!p0 $0x108  }
0x21: {  	s3 =	sadd.s32 s3, s9;
	s6 =	sadd.s32 @!p0 $0x88, s6;
	s7 =	simm.s32 @p2 $0x1082  }
0x22: {  	[simem:s7], [sflag:s8] =	dma.local @!p0 [hbm:s6], $0xF7A  }
0x23: {  	s9 =	sor.u32 $0xD0000000, s2;
	s6 =	simm.s32 $0x108;
	_ =	swait.ge @!p0 [sflag:s8], $0x0  }
0x24: {  	s3 =	sadd.s32 $0x88, s3;
	s6 =	simm.s32 @!p1 $0x1082;
	[sflag:s4] =	ssyncset.s32 $0xFFFFF086  }
0x25: {  	[simem:s6], [sflag:s4] =	dma.local [hbm:s3], $0xF7A  }
0x26: {  	[smem:$0x3F96] =	sst s1;
	(tag) =	ssettag s2;
	_ =	strace s9  }
0x27: {  	s1 =	sld [smem:$0x3FA6]  }
0x28: {  	s2 =	sld [smem:$0x3FA7]  }
0x29: {  	s4 =	sld [smem:$0x3FA9]  }
0x2a: {  	p0 =	seq.s32 s5, $0x0;
	s5 =	sld [smem:$0x3FAA]  }
0x2b: {  	s6 =	sld [smem:$0x3FAB]  }
0x2c: {  	s7 =	sld [smem:$0x3FAC]  }
0x2d: {  	s3 =	simm.s32 $0x108;
	s8 =	sld [smem:$0x3FAD]  }
0x2e: {  	s3 =	simm.s32 @!p0 $0x1082;
	s9 =	sld [smem:$0x3FAE]  }
0x2f: {  	lr =	sadd.s32 s0, s3;
	s0 =	sld [smem:$0x3FA5]  }
0x30: {  	s3 =	sld [smem:$0x3FA8]  }
0x31: {  	[smem:$0x3FB1] =	sst s10  }
0x32: {  	s10 =	sld [smem:$0x3FAF];
	_ =	sdelay $0x3  }
0x33: {  	p0 =	seq.s32 s10, $0x1;
	s10 =	sld [smem:$0x3FB1];
	_ =	sdelay $0x3  }
0x34: {  	[smem:$0x3FB1] =	sst s10  }
0x35: {  	s10 =	sld [smem:$0x3FB0];
	_ =	sdelay $0x3  }
0x36: {  	p1 =	seq.s32 s10, $0x1;
	s10 =	sld [smem:$0x3FB1];
	_ =	sdelay $0x3  }
0x37: {  	[smem:$0x3FB1] =	sst s10  }
0x38: {  	s10 =	sld [smem:$0x3FB2]  }
0x39: {  	_ = 	snop;
	(pc) =	sbr.ind lr, $3  }
0x3a: {  	_ = 	snop  }
0x3b: {  	_ = 	snop  }
0x3c: {  	p2 =	seq.s32 s10, $0x1;
	s10 =	sld [smem:$0x3FB1]  }
0x3d: {  	_ =	shalt  }
0x3e: {  	_ =	shalt  }
0x3f: {  	_ =	shalt  }
0x40: {  	_ =	shalt  }
0x41: {  	_ =	shalt  }
0x42: {  	_ =	shalt  }
0x43: {  	_ =	shalt  }
0x44: {  	_ =	shalt  }
0x45: {  	_ =	shalt  }
0x46: {  	_ =	shalt  }
0x47: {  	_ =	shalt  }
0x48: {  	_ =	shalt  }
0x49: {  	_ =	shalt  }
0x4a: {  	_ =	shalt  }
0x4b: {  	_ =	shalt  }
0x4c: {  	_ =	shalt  }
0x4d: {  	_ =	shalt  }
0x4e: {  	_ =	shalt  }
0x4f: {  	_ =	shalt  }
0x50: {  	_ =	shalt  }
0x51: {  	_ =	shalt  }
0x52: {  	_ =	shalt  }
0x53: {  	_ =	shalt  }
0x54: {  	_ =	shalt  }
0x55: {  	_ =	shalt  }
0x56: {  	_ =	shalt  }
0x57: {  	_ =	shalt  }
0x58: {  	_ =	shalt  }
0x59: {  	_ =	shalt  }
0x5a: {  	_ =	shalt  }
0x5b: {  	_ =	shalt  }
0x5c: {  	_ =	shalt  }
0x5d: {  	_ =	shalt  }
0x5e: {  	_ =	shalt  }
0x5f: {  	_ =	shalt  }
0x60: {  	_ =	shalt  }
0x61: {  	_ =	shalt  }
0x62: {  	_ =	shalt  }
0x63: {  	_ =	shalt  }
0x64: {  	_ =	shalt  }
0x65: {  	_ =	shalt  }
0x66: {  	_ =	shalt  }
0x67: {  	_ =	shalt  }
0x68: {  	_ =	shalt  }
0x69: {  	_ =	shalt  }
0x6a: {  	_ =	shalt  }
0x6b: {  	_ =	shalt  }
0x6c: {  	_ =	shalt  }
0x6d: {  	_ =	shalt  }
0x6e: {  	_ =	shalt  }
0x6f: {  	_ =	shalt  }
0x70: {  	_ =	shalt  }
0x71: {  	_ =	shalt  }
0x72: {  	_ =	shalt  }
0x73: {  	_ =	shalt  }
0x74: {  	_ =	shalt  }
0x75: {  	_ =	shalt  }
0x76: {  	_ =	shalt  }
0x77: {  	_ =	shalt  }
0x78: {  	_ =	shalt  }
0x79: {  	_ =	shalt  }
0x7a: {  	_ =	shalt  }
0x7b: {  	_ =	shalt  }
0x7c: {  	_ =	shalt  }
0x7d: {  	_ =	shalt  }
0x7e: {  	_ =	shalt  }
0x7f: {  	_ =	shalt  }
0x80: {  	_ =	shalt  }
0x81: {  	_ =	shalt  }
0x82: {  	_ =	shalt  }
0x83: {  	_ =	shalt  }
0x84: {  	_ =	shalt  }
0x85: {  	_ =	shalt  }
0x86: {  	_ =	shalt  }
0x87: {  	_ =	shalt  }
.Lfunc_end0:
.L_simem_size_0:
called_computation.1_lowered:
.L_overlay_start_0:
0x88: {  	s2 =	sld [smem:$0x3FD9]  }
0x89: {  	s3 =	sld [smem:$0x3FFE];
	_ =	sdelay $0x1  }
0x8a: {  	s1 =	srdreg.scid  }
0x8b: {  	s0 =	sand.u32 $0x1, s1  }
0x8c: {  	s17 =	sshll.u32 s0, $0xA;
	s2 =	sadd.s32 s3, s2  }
0x8d: {  	s2 =	sadd.s32 s2, s17  }
0x8e: {  	[smem:$0x3FBD] =	sst s2  }
0x8f: {  	_ = 	snop  }
0x90: {  	s2 =	sld [smem:$0x3FD0];
	(tm) =	ssettm $0x1  }
0x91: {  	s18 =	sld [smem:$0x3FFB];
	_ =	sdelay $0x3  }
0x92: {  	_ =	strace s18  }
0x93: {  	s3 =	sld [smem:$0x3FFC];
	_ =	sdelay $0x3  }
0x94: {  	_ =	strace s3  }
0x95: {  	s3 =	sld [smem:$0x3FFD];
	_ =	sdelay $0x3  }
0x96: {  	_ =	strace s3  }
0x97: {  	_ =	strace $0x8FFFFFFF  }
0x98: {  	s19 =	sld [smem:$0x3FDB];
	_ =	sdelay $0x1  }
0x99: {  	s4 =	simm.s32 $_scs_section_size  }
0x9a: {  	s5 =	simm.s32 $_size__tile_overlayer_lowered;
	s6 =	simm.s32 $_tile_overlayer_lowered  }
0x9b: {  	s22 =	simm.s32 $0x1BFF;
	s21 =	sshll.u32 s6, $0x1;
	s3 =	sadd.s32 s4, s19  }
0x9c: {  	s7 =	simm.s32 $0x0;
	s20 =	sshll.u32 s5, $0x1;
	s5 =	sadd.s32 s21, s3  }
0x9d: {  	[timem:s7], [sflag:s22] =	dma.local [hbm:s5], s20  }
0x9e: {  	_ =	swait.ge [sflag:s22], s20  }
0x9f: {  	s4 =	ssub.s32 $0x0, s20;
	[sflag:s22] =	ssyncset.done $0x0  }
0xa0: {  	[sflag:s22] =	ssyncadd.s32 s4;
	_ =	sdelay $0x1  }
0xa1: {  	s23 =	simm.s32 $0x1B8B  }
0xa2: {  	_ =	swait.ge [sflag:s23], $0x1  }
0xa3: {  	[sflag:s23] =	ssyncset.done $0x0  }
0xa4: {  	s25 =	simm.s32 $0x1B8E;
	s24 =	sld [smem:$0x3FFE];
	[sflag:s23] =	ssyncadd.s32 $0xFFFFFFFF  }
0xa5: {  	s26 =	simm.s32 $execute0_lowered;
	[smem:$0x3FD2] =	sst s25  }
0xa6: {  	s5 =	sshll.u32 s26, $0x1;
	_ =	strace $0x80000046;
	[dreg:$0x1] =	wrdreg $0xFFFFFFFF  }
0xa7: {  	s28 =	simm.s32 $_size_execute0_lowered;
	s3 =	sadd.s32 s3, s5;
	[dreg:$0x0] =	wrdreg $0x0  }
0xa8: {  	s5 =	sshll.u32 s28, $0x1;
	[dreg:$0x2] =	wrdreg s3  }
0xa9: {  	[dreg:$0x3] =	wrdreg s5  }
0xaa: {  	[dreg:$0x4] =	wrdreg $0xC0  }
0xab: {  	_ =	task [dreg:s7], $0x5FFFF  }
0xac: {  	[dreg:$0x1] =	wrdreg $0xFFFFFFFF  }
0xad: {  	[dreg:$0x0] =	wrdreg $0x60  }
0xae: {  	[dreg:$0x2] =	wrdreg s24  }
0xaf: {  	[dreg:$0x3] =	wrdreg s2  }
0xb0: {  	[dreg:$0x4] =	wrdreg $0xA  }
0xb1: {  	_ =	task.clear_ibuf [dreg:s7], $0x5FFFF;
	_ =	strace $0x90000046  }
0xb2: {  	s29 =	simm.s32 $0xA;
	_ =	strace $0x80000048  }
0xb3: {  	_ =	swait.ge [sflag:s29], $0x1  }
0xb4: {  	[sflag:s29] =	ssyncadd.s32 $0xFFFFFFFF  }
0xb5: {  	_ =	strace $0x90000048  }
0xb6: {  	_ =	sfence  }
0xb7: {  	s30 =	sld [smem:$0x0];
	_ =	sdelay $0x2  }
0xb8: {  	s31 =	sshll.u32 s1, $0xD;
	s1 =	sshrl.u32 s1, $0x2  }
0xb9: {  	s3 =	sand.u32 $0x4000, s31;
	s1 =	sadd.s32 s1, s30  }
0xba: {  	s0 =	sor.u32 s3, s0;
	s1 =	sshll.u32 s1, $0x11  }
0xbb: {  	s0 =	sor.u32 s1, s0  }
0xbc: {  	s0 =	sadd.s32 $0x8F2B, s0  }
0xbd: {  	[sflag:s0] =	ssyncadd.remote.s32 $0x1  }
0xbe: {  	_ =	sfence.sel $0xFFFF  }
0xbf: {  	[dreg:$0x0] =	wrdreg $0xFFFFFFFF;
	(pc) =	sbr.abs _section_cstart, $3  }
0xc0: {  	[dreg:$0x1] =	wrdreg $0xFFFFFFFF  }
0xc1: {  	_ =	task.clear_ibuf [dreg:s7], $0x2FFFF;
	_ =	strace $0x9FFFFFFF  }
0xc2: {  	(tm) =	ssettm $0x7FFFFFFF  }
0xc3: {  	_ =	shalt  }
tec
execute0_lowered:
.L_overlay_start_1:
0x0: {  	(tag) =	ssettag $0x1  }
0x1: {  	s1 =	srdreg.scid  }
0x2: {  	s0 =	stileid.u32;
	s8 =	rddreg [dreg:$0x0];
	s6 =	sand.u32 $0x1, s1  }
0x3: {  	s3 =	rddreg [dreg:$0x1];
	s30 =	sshll.u32 s0, $0xA;
	s2 =	sshll.u32 s6, $0x9  }
0x4: {  	s7 =	simm.s32 $0x1;
	s1 =	rddreg [dreg:$0x2];
	s9 =	sor.u32 s2, s30  }
0x5: {  	s5 =	sadd.s32 $0x18A000, s8;
	s2 =	simm.s32 $0x0;
	s4 =	sshrl.u32 s9, $0x3  }
0x6: {  	s10 =	ssub.s32 $0x2, s6;
	[smem:$0x7FF] =	sst s2;
	s3 =	sadd.s32 s4, s3  }
0x7: {  	_ =	strace $0x80000047;
	s4 =	sadd.s32 $0x800, s3;
	s3 =	simm.s32 $0x2  }
0x8: {  	[tilespmem:s2], [sflag:$0x2] =	stream.linear.gather [hbm4b:s4+s2], $0x200, $0x38;
	[tilespmem:$0x8200] =	vst v63  }
0x9: {  	s6 =	simm.s32 $0x200;
	s11 =	sshrl.u32 s10, $0x1;
	_ =	swait.ge [sflag:s3], $0x200  }
0xa: {  	s9 =	sshll.u32 s9, $0x3;
	s31 =	ssub.s32 s10, s11;
	[sflag:s3] =	ssyncset.done $0x0  }
0xb: {  	s8 =	sadd.s32 s9, s8;
	s9 =	smax.u32 s31, $0x1;
	[sflag:s3] =	ssyncadd.s32 $0xFFFFFE00  }
0xc: {  	[tilespmem:s6], [sflag:$0x1] =	stream.indirect.gather [hbm4b:s5+s6], $0x40, s2, s6, $0xb8;
	[tilespmem:$0x8200] =	vst v63  }
0xd: {  	p0 =	sne.s32 s9, $0x1;
	_ =	swait.ge [sflag:s7], $0x8000  }
.Ltmp0:
0xe: {  	[sflag:s7] =	ssyncset.done $0x0;
	(pc) =	sbr.rel @!p0 .LBB2_2-.Ltmp0, $4  }
0xf: {  	s8 =	sadd.s32 $0x3600, s8;
	[sflag:s7] =	ssyncadd.s32 $0xFFFF8000  }
0x10: {  	[hbm4b:s8+s2] =	stream.linear.scatter [tilespmem:s6], [sflag:$0x2], $0x8000, $0x38;
	[tilespmem:$0x8200] =	vst v63  }
0x11: {  	_ =	swait.ge [sflag:s3], $0x8000  }
0x12: {  	s9 =	sadd.s32 $0xFFFFFFFF, s9;
	[sflag:s3] =	ssyncset.done $0x0  }
.LBB2_1:
0x13: {  	p0 =	sne.s32 s9, $0x1;
	s9 =	sadd.s32 $0xFFFFFFFF, s9;
	[sflag:s3] =	ssyncadd.s32 $0xFFFF8000  }
0x14: {  	[tilespmem:s2], [sflag:$0x2] =	stream.linear.gather [hbm4b:s4+s2], $0x200, $0x38;
	[tilespmem:$0x8200] =	vst v63  }
0x15: {  	_ =	swait.ge [sflag:s3], $0x200  }
0x16: {  	[sflag:s3] =	ssyncset.done $0x0  }
0x17: {  	[sflag:s3] =	ssyncadd.s32 $0xFFFFFE00  }
0x18: {  	[tilespmem:s6], [sflag:$0x1] =	stream.indirect.gather [hbm4b:s5+s6], $0x40, s2, s6, $0xb8;
	[tilespmem:$0x8200] =	vst v63  }
0x19: {  	_ =	swait.ge [sflag:s7], $0x8000  }
.Ltmp1:
0x1a: {  	[sflag:s7] =	ssyncset.done $0x0;
	(pc) =	sbr.rel @p0 .LBB2_1-.Ltmp1, $4  }
0x1b: {  	[sflag:s7] =	ssyncadd.s32 $0xFFFF8000  }
0x1c: {  	[hbm4b:s8+s2] =	stream.linear.scatter [tilespmem:s6], [sflag:$0x2], $0x8000, $0x38;
	[tilespmem:$0x8200] =	vst v63  }
0x1d: {  	_ =	swait.ge [sflag:s3], $0x8000  }
0x1e: {  	[sflag:s3] =	ssyncset.done $0x0  }
.LBB2_2:
0x1f: {  	[sflag:s3] =	ssyncadd.s32 $0xFFFF8000  }
0x20: {  	_ =	sfence.sel $0x180000  }
0x21: {  	[bflag:$0x0] =	sbarrier.arrive $0xFFFF  }
0x22: {  	p0 =	sne.s32 s0, $0x0;
	_ =	strace $0x90000047  }
0x23: {  	s0 =	sadd.s32 @!p0 $0x100000, s1;
	[bflag:$0x2] =	sbarrier.arrive $0xFFFF  }
0x24: {  	[sflag:s0] =	ssyncadd.tile.s32 @!p0 $0x1;
	_ =	shalt  }
.Lfunc_end2:
_tile_overlayer_lowered:
.L_overlay_start_2:
0x25: {  	(tag) =	ssettag $0x2  }
0x26: {  	s0 =	rddreg [dreg:$0x0];
	s2 =	stileid.u32  }
0x27: {  	s1 =	rddreg [dreg:$0x1];
	p0 =	sne.s32 s2, $0x0  }
0x28: {  	s3 =	rddreg [dreg:$0x2];
	[bflag:$0x3] =	sbarrier.arrive $0xFFFF;
	s2 =	simm.s32 @!p0 $0x1C02  }
0x29: {  	[timem:s3], [sflag:s2] =	dma.local @!p0 [hbm:s0], s1  }
0x2a: {  	s0 =	simm.s32 @!p0 $0x2  }
0x2b: {  	_ =	swait.ge @!p0 [sflag:s0], s1  }
0x2c: {  	s1 =	ssub.s32 @!p0 $0x0, s1;
	[sflag:s0] =	ssyncset.done @!p0 $0x0  }
0x2d: {  	[sflag:s0] =	ssyncadd.s32 @!p0 s1  }
0x2e: {  	[bflag:$0x3] =	sbarrier.arrive $0xFFFF  }
0x2f: {  	_ =	shalt  }

</sc_bundles>
